<compile_context>
chip_gen: v7x
topology: tpu7x:2x2x1
jax: 0.10.2.dev20260603
libtpu: 0.0.44.dev20260713+nightly
codegen_flags: <defaults>
</compile_context>

<pallas_src>
import jax
import jax.numpy as jnp
from jax import lax
from jax.experimental import pallas as pl
from jax.experimental.pallas import tpu as pltpu
from jax.experimental.pallas import tpu_sc as plsc

N = 100000
NC = 1
NS = 16
LANES = 16
CHUNK = 6272
HALF = CHUNK // 2
LAST = N - CHUNK
NSP = 10


def _sc_body(ae_hbm, idx_hbm, scale_hbm, shift_hbm, out_hbm,
             ae_v, idx_v, out_v, scale_v, shift_v, sem_a, sem_b, sem_o):
    wid = lax.axis_index("s") * NC + lax.axis_index("c")
    base = jnp.minimum(CHUNK * wid, LAST)
    i1 = pltpu.make_async_copy(idx_hbm.at[pl.ds(base, HALF)],
                               idx_v.at[pl.ds(0, HALF)], sem_a)
    a1 = pltpu.make_async_copy(ae_hbm.at[pl.ds(base, HALF)],
                               ae_v.at[pl.ds(0, HALF)], sem_a)
    t1 = pltpu.make_async_copy(scale_hbm, scale_v.at[pl.ds(0, NSP)], sem_a)
    t2 = pltpu.make_async_copy(shift_hbm, shift_v.at[pl.ds(0, NSP)], sem_a)
    i2 = pltpu.make_async_copy(idx_hbm.at[pl.ds(base + HALF, HALF)],
                               idx_v.at[pl.ds(HALF, HALF)], sem_b)
    a2 = pltpu.make_async_copy(ae_hbm.at[pl.ds(base + HALF, HALF)],
                               ae_v.at[pl.ds(HALF, HALF)], sem_b)
    i1.start(); a1.start(); t1.start(); t2.start(); i2.start(); a2.start()
    i1.wait(); a1.wait(); t1.wait(); t2.wait()

    def half(lo):
        @plsc.parallel_loop(lo, lo + HALF, step=LANES, unroll=2)
        def _(off):
            s = pl.ds(off, LANES)
            iv = idx_v[s]
            av = ae_v[s]
            sc = plsc.load_gather(scale_v, [iv])
            sh = plsc.load_gather(shift_v, [iv])
            out_v[s] = av * sc + sh

    half(0)
    o1 = pltpu.make_async_copy(out_v.at[pl.ds(0, HALF)],
                               out_hbm.at[pl.ds(base, HALF)], sem_o)
    o1.start()
    i2.wait(); a2.wait()
    half(HALF)
    o2 = pltpu.make_async_copy(out_v.at[pl.ds(HALF, HALF)],
                               out_hbm.at[pl.ds(base + HALF, HALF)], sem_o)
    o2.start()
    o1.wait(); o2.wait()


_sc_call = pl.kernel(
    _sc_body,
    out_type=jax.ShapeDtypeStruct((N,), jnp.float32),
    mesh=plsc.VectorSubcoreMesh(
        core_axis_name="c", subcore_axis_name="s",
        num_cores=NC, num_subcores=NS),
    compiler_params=pltpu.CompilerParams(needs_layout_passes=False),
    scratch_types=[
        pltpu.VMEM((CHUNK,), jnp.float32),
        pltpu.VMEM((CHUNK,), jnp.int32),
        pltpu.VMEM((CHUNK,), jnp.float32),
        pltpu.VMEM((LANES,), jnp.float32),
        pltpu.VMEM((LANES,), jnp.float32),
        pltpu.SemaphoreType.DMA,
        pltpu.SemaphoreType.DMA,
        pltpu.SemaphoreType.DMA,
    ],
)


def kernel(atomic_energy, atom_number, scale, shift):
    ae = atomic_energy.reshape(-1).astype(jnp.float32)
    idx = atom_number.reshape(-1).astype(jnp.int32)
    return _sc_call(ae, idx, scale.astype(jnp.float32),
                    shift.astype(jnp.float32))

# --- scband reference (transcript-rebuilt; emitter-appended) ---
"""Pipeline reference for scband-element-scale-46248207843550 (READ-ONLY COPY).

The authoritative reference and input builder live on the scoring server;
editing this copy changes nothing except your own understanding.
"""

import jax, jax.numpy as jnp
import numpy as np

N_ATOMS = 100000
N_SPECIES = 10
DIVIDER = 10.0

SYSTEM_E = jnp.array([-13.6, -1029.5, -1485.3, -2043.9, -2715.5, -9287.6, -10832.0, -12519.5, -70045.3, -8102.1], dtype=jnp.float32)
QEQ_E = jnp.array([-0.5, -5.4, -7.1, -9.9, -12.2, -15.0, -17.6, -20.1, -22.4, -25.3], dtype=jnp.float32)
SCALE_RAW = jnp.array([1.05, 0.92, 1.1, 0.98, 1.02, 0.88, 1.15, 0.95, 1.08, 1.0], dtype=jnp.float32)


def setup_inputs(seed: int = 0) -> dict:
    key = jax.random.key(seed)
    k1, k2 = jax.random.split(key, 2)
    atom_number = jax.random.randint(k1, (N_ATOMS,), 0, N_SPECIES, dtype=jnp.int64 if jax.config.jax_enable_x64 else jnp.int32)
    atomic_energy = jax.random.normal(k2, (N_ATOMS,), dtype=jnp.float32)
    # Parameters as constructed in __init__ (type='species'):
    shift = (SYSTEM_E - QEQ_E) / DIVIDER
    scale = SCALE_RAW / DIVIDER
    return {"atomic_energy": atomic_energy, "atom_number": atom_number, "scale": scale, "shift": shift}


def reference(atomic_energy, atom_number, scale, shift):
    # Faithful translation of ElementScale.forward:
    # atomic_energy = atomic_energy.squeeze() if not 1-D
    ae = atomic_energy.reshape(-1)
    out = ae * jnp.take(scale, atom_number, axis=0) + jnp.take(shift, atom_number, axis=0)
    # forward returns the updated data dict; the mutated tensor is 'atomic_energy'
    return out

if __name__ == "__main__":
    import jax
    _d = setup_inputs()
    print(jax.jit(kernel)(*tuple(_d.values())))

</pallas_src>

<mosaic_0001>
#map = affine_map<(d0, d1) -> (0)>
module attributes {stable_mosaic.version = 14 : i64} {
  func.func @_sc_body(%arg0: i32, %arg1: i32, %arg2: memref<100000xf32, #tpu.memory_space<hbm>>, %arg3: memref<100000xi32, #tpu.memory_space<hbm>>, %arg4: memref<10xf32, #tpu.memory_space<hbm>>, %arg5: memref<10xf32, #tpu.memory_space<hbm>>, %arg6: memref<100000xf32, #tpu.memory_space<hbm>>, %arg7: memref<6272xf32, #tpu.memory_space<vmem>>, %arg8: memref<6272xi32, #tpu.memory_space<vmem>>, %arg9: memref<6272xf32, #tpu.memory_space<vmem>>, %arg10: memref<16xf32, #tpu.memory_space<vmem>>, %arg11: memref<16xf32, #tpu.memory_space<vmem>>, %arg12: memref<!tpu.dma_semaphore, #tpu.memory_space<semaphore_mem>>, %arg13: memref<!tpu.dma_semaphore, #tpu.memory_space<semaphore_mem>>, %arg14: memref<!tpu.dma_semaphore, #tpu.memory_space<semaphore_mem>>) attributes {dimension_semantics = [#tpu.dimension_semantics<core_parallel>, #tpu.dimension_semantics<subcore_parallel>], iteration_bounds = array<i64: 1, 16>, scalar_prefetch = 0 : i64, scratch_operands = 8 : i64, tpu.core_type = #tpu.core_type<sc_vector_subcore>, window_params = [{transform_indices = #map}, {transform_indices = #map}, {transform_indices = #map}, {transform_indices = #map}, {transform_indices = #map}]} {
    %mul3A = arith.constant 1 : i32
    %mul3A_0 = arith.muli %arg1, %mul3A : i32
    %add3A = arith.addi %mul3A_0, %arg0 : i32
    %mul3A_1 = arith.constant 6272 : i32
    %mul3A_2 = arith.muli %mul3A_1, %add3A : i32
    %min3A = arith.constant 93728 : i32
    %min3A_3 = arith.minsi %mul3A_2, %min3A : i32
    %add3A_4 = arith.constant 3136 : i32
    %add3A_5 = arith.addi %min3A_3, %add3A_4 : i32
    %add3A_6 = arith.constant 3136 : i32
    %add3A_7 = arith.addi %min3A_3, %add3A_6 : i32
    %dma_start3A = arith.constant 0 : i32
    %dma_start3A_8 = tpu.memref_slice %arg8[%dma_start3A] : memref<6272xi32, #tpu.memory_space<vmem>> -> memref<3136xi32, #tpu.memory_space<vmem>>
    %dma_start3A_9 = tpu.memref_slice %arg3[%min3A_3] : memref<100000xi32, #tpu.memory_space<hbm>> -> memref<3136xi32, #tpu.memory_space<hbm>>
    %dma_start3A_10 = arith.constant 0 : i32
    %dma_start3A_11 = tpu.memref_slice %arg8[%dma_start3A_10] : memref<6272xi32, #tpu.memory_space<vmem>> -> memref<3136xi32, #tpu.memory_space<vmem>>
    %dma_start3A_12 = tpu.memref_slice %arg3[%min3A_3] : memref<100000xi32, #tpu.memory_space<hbm>> -> memref<3136xi32, #tpu.memory_space<hbm>>
    tpu.enqueue_dma source(%dma_start3A_12 : memref<3136xi32, #tpu.memory_space<hbm>>) target(%dma_start3A_11 : memref<3136xi32, #tpu.memory_space<vmem>>) target_semaphore(%arg12 : memref<!tpu.dma_semaphore, #tpu.memory_space<semaphore_mem>>)
    %dma_start3A_13 = arith.constant 0 : i32
    %dma_start3A_14 = tpu.memref_slice %arg7[%dma_start3A_13] : memref<6272xf32, #tpu.memory_space<vmem>> -> memref<3136xf32, #tpu.memory_space<vmem>>
    %dma_start3A_15 = tpu.memref_slice %arg2[%min3A_3] : memref<100000xf32, #tpu.memory_space<hbm>> -> memref<3136xf32, #tpu.memory_space<hbm>>
    %dma_start3A_16 = arith.constant 0 : i32
    %dma_start3A_17 = tpu.memref_slice %arg7[%dma_start3A_16] : memref<6272xf32, #tpu.memory_space<vmem>> -> memref<3136xf32, #tpu.memory_space<vmem>>
    %dma_start3A_18 = tpu.memref_slice %arg2[%min3A_3] : memref<100000xf32, #tpu.memory_space<hbm>> -> memref<3136xf32, #tpu.memory_space<hbm>>
    tpu.enqueue_dma source(%dma_start3A_18 : memref<3136xf32, #tpu.memory_space<hbm>>) target(%dma_start3A_17 : memref<3136xf32, #tpu.memory_space<vmem>>) target_semaphore(%arg12 : memref<!tpu.dma_semaphore, #tpu.memory_space<semaphore_mem>>)
    %dma_start3A_19 = arith.constant 0 : i32
    %dma_start3A_20 = tpu.memref_slice %arg10[%dma_start3A_19] : memref<16xf32, #tpu.memory_space<vmem>> -> memref<10xf32, #tpu.memory_space<vmem>>
    %dma_start3A_21 = arith.constant 0 : i32
    %dma_start3A_22 = tpu.memref_slice %arg10[%dma_start3A_21] : memref<16xf32, #tpu.memory_space<vmem>> -> memref<10xf32, #tpu.memory_space<vmem>>
    tpu.enqueue_dma source(%arg4 : memref<10xf32, #tpu.memory_space<hbm>>) target(%dma_start3A_22 : memref<10xf32, #tpu.memory_space<vmem>>) target_semaphore(%arg12 : memref<!tpu.dma_semaphore, #tpu.memory_space<semaphore_mem>>)
    %dma_start3A_23 = arith.constant 0 : i32
    %dma_start3A_24 = tpu.memref_slice %arg11[%dma_start3A_23] : memref<16xf32, #tpu.memory_space<vmem>> -> memref<10xf32, #tpu.memory_space<vmem>>
    %dma_start3A_25 = arith.constant 0 : i32
    %dma_start3A_26 = tpu.memref_slice %arg11[%dma_start3A_25] : memref<16xf32, #tpu.memory_space<vmem>> -> memref<10xf32, #tpu.memory_space<vmem>>
    tpu.enqueue_dma source(%arg5 : memref<10xf32, #tpu.memory_space<hbm>>) target(%dma_start3A_26 : memref<10xf32, #tpu.memory_space<vmem>>) target_semaphore(%arg12 : memref<!tpu.dma_semaphore, #tpu.memory_space<semaphore_mem>>)
    %dma_start3A_27 = arith.constant 3136 : i32
    %dma_start3A_28 = tpu.memref_slice %arg8[%dma_start3A_27] : memref<6272xi32, #tpu.memory_space<vmem>> -> memref<3136xi32, #tpu.memory_space<vmem>>
    %dma_start3A_29 = tpu.memref_slice %arg3[%add3A_5] : memref<100000xi32, #tpu.memory_space<hbm>> -> memref<3136xi32, #tpu.memory_space<hbm>>
    %dma_start3A_30 = arith.constant 3136 : i32
    %dma_start3A_31 = tpu.memref_slice %arg8[%dma_start3A_30] : memref<6272xi32, #tpu.memory_space<vmem>> -> memref<3136xi32, #tpu.memory_space<vmem>>
    %dma_start3A_32 = tpu.memref_slice %arg3[%add3A_5] : memref<100000xi32, #tpu.memory_space<hbm>> -> memref<3136xi32, #tpu.memory_space<hbm>>
    tpu.enqueue_dma source(%dma_start3A_32 : memref<3136xi32, #tpu.memory_space<hbm>>) target(%dma_start3A_31 : memref<3136xi32, #tpu.memory_space<vmem>>) target_semaphore(%arg13 : memref<!tpu.dma_semaphore, #tpu.memory_space<semaphore_mem>>)
    %dma_start3A_33 = arith.constant 3136 : i32
    %dma_start3A_34 = tpu.memref_slice %arg7[%dma_start3A_33] : memref<6272xf32, #tpu.memory_space<vmem>> -> memref<3136xf32, #tpu.memory_space<vmem>>
    %dma_start3A_35 = tpu.memref_slice %arg2[%add3A_7] : memref<100000xf32, #tpu.memory_space<hbm>> -> memref<3136xf32, #tpu.memory_space<hbm>>
    %dma_start3A_36 = arith.constant 3136 : i32
    %dma_start3A_37 = tpu.memref_slice %arg7[%dma_start3A_36] : memref<6272xf32, #tpu.memory_space<vmem>> -> memref<3136xf32, #tpu.memory_space<vmem>>
    %dma_start3A_38 = tpu.memref_slice %arg2[%add3A_7] : memref<100000xf32, #tpu.memory_space<hbm>> -> memref<3136xf32, #tpu.memory_space<hbm>>
    tpu.enqueue_dma source(%dma_start3A_38 : memref<3136xf32, #tpu.memory_space<hbm>>) target(%dma_start3A_37 : memref<3136xf32, #tpu.memory_space<vmem>>) target_semaphore(%arg13 : memref<!tpu.dma_semaphore, #tpu.memory_space<semaphore_mem>>)
    %dma_wait3A = arith.constant 0 : i32
    %dma_wait3A_39 = tpu.memref_slice %arg8[%dma_wait3A] : memref<6272xi32, #tpu.memory_space<vmem>> -> memref<3136xi32, #tpu.memory_space<vmem>>
    %dma_wait3A_40 = tpu.memref_slice %arg3[%min3A_3] : memref<100000xi32, #tpu.memory_space<hbm>> -> memref<3136xi32, #tpu.memory_space<hbm>>
    %dma_wait3A_41 = arith.constant 0 : i32
    %dma_wait3A_42 = tpu.memref_slice %arg8[%dma_wait3A_41] : memref<6272xi32, #tpu.memory_space<vmem>> -> memref<3136xi32, #tpu.memory_space<vmem>>
    %dma_wait3A_43 = tpu.memref_slice %arg3[%min3A_3] : memref<100000xi32, #tpu.memory_space<hbm>> -> memref<3136xi32, #tpu.memory_space<hbm>>
    tpu.wait_dma2 semaphore(%arg12 : memref<!tpu.dma_semaphore, #tpu.memory_space<semaphore_mem>>) src(%dma_wait3A_43 : memref<3136xi32, #tpu.memory_space<hbm>>) dst(%dma_wait3A_42 : memref<3136xi32, #tpu.memory_space<vmem>>)
    %dma_wait3A_44 = arith.constant 0 : i32
    %dma_wait3A_45 = tpu.memref_slice %arg7[%dma_wait3A_44] : memref<6272xf32, #tpu.memory_space<vmem>> -> memref<3136xf32, #tpu.memory_space<vmem>>
    %dma_wait3A_46 = tpu.memref_slice %arg2[%min3A_3] : memref<100000xf32, #tpu.memory_space<hbm>> -> memref<3136xf32, #tpu.memory_space<hbm>>
    %dma_wait3A_47 = arith.constant 0 : i32
    %dma_wait3A_48 = tpu.memref_slice %arg7[%dma_wait3A_47] : memref<6272xf32, #tpu.memory_space<vmem>> -> memref<3136xf32, #tpu.memory_space<vmem>>
    %dma_wait3A_49 = tpu.memref_slice %arg2[%min3A_3] : memref<100000xf32, #tpu.memory_space<hbm>> -> memref<3136xf32, #tpu.memory_space<hbm>>
    tpu.wait_dma2 semaphore(%arg12 : memref<!tpu.dma_semaphore, #tpu.memory_space<semaphore_mem>>) src(%dma_wait3A_49 : memref<3136xf32, #tpu.memory_space<hbm>>) dst(%dma_wait3A_48 : memref<3136xf32, #tpu.memory_space<vmem>>)
    %dma_wait3A_50 = arith.constant 0 : i32
    %dma_wait3A_51 = tpu.memref_slice %arg10[%dma_wait3A_50] : memref<16xf32, #tpu.memory_space<vmem>> -> memref<10xf32, #tpu.memory_space<vmem>>
    %dma_wait3A_52 = arith.constant 0 : i32
    %dma_wait3A_53 = tpu.memref_slice %arg10[%dma_wait3A_52] : memref<16xf32, #tpu.memory_space<vmem>> -> memref<10xf32, #tpu.memory_space<vmem>>
    tpu.wait_dma2 semaphore(%arg12 : memref<!tpu.dma_semaphore, #tpu.memory_space<semaphore_mem>>) src(%arg4 : memref<10xf32, #tpu.memory_space<hbm>>) dst(%dma_wait3A_53 : memref<10xf32, #tpu.memory_space<vmem>>)
    %dma_wait3A_54 = arith.constant 0 : i32
    %dma_wait3A_55 = tpu.memref_slice %arg11[%dma_wait3A_54] : memref<16xf32, #tpu.memory_space<vmem>> -> memref<10xf32, #tpu.memory_space<vmem>>
    %dma_wait3A_56 = arith.constant 0 : i32
    %dma_wait3A_57 = tpu.memref_slice %arg11[%dma_wait3A_56] : memref<16xf32, #tpu.memory_space<vmem>> -> memref<10xf32, #tpu.memory_space<vmem>>
    tpu.wait_dma2 semaphore(%arg12 : memref<!tpu.dma_semaphore, #tpu.memory_space<semaphore_mem>>) src(%arg5 : memref<10xf32, #tpu.memory_space<hbm>>) dst(%dma_wait3A_57 : memref<10xf32, #tpu.memory_space<vmem>>)
    %parallel_loop3A = arith.constant 0 : i32
    %parallel_loop3A_58 = arith.constant 3136 : i32
    %parallel_loop3A_59 = arith.constant 16 : i32
    scf.for %parallel_loop3A_101 = %parallel_loop3A to %parallel_loop3A_58 step %parallel_loop3A_59  : i32 {
      %parallel_loop3A_102 = arith.index_cast %parallel_loop3A_101 : i32 to index
      %parallel_loop3A_103 = tpu.vector_load %arg8[%parallel_loop3A_102] {strides = array<i32>} : memref<6272xi32, #tpu.memory_space<vmem>>, vector<16xi32>,
      %parallel_loop3A_104 = arith.index_cast %parallel_loop3A_101 : i32 to index
      %parallel_loop3A_105 = tpu.vector_load %arg7[%parallel_loop3A_104] {strides = array<i32>} : memref<6272xf32, #tpu.memory_space<vmem>>, vector<16xf32>,
      %parallel_loop3A_106 = tpu.vector_load_idx %arg10[%parallel_loop3A_103] : memref<16xf32, #tpu.memory_space<vmem>>[vector<16xi32>], vector<16xf32>,
      %parallel_loop3A_107 = tpu.vector_load_idx %arg11[%parallel_loop3A_103] : memref<16xf32, #tpu.memory_space<vmem>>[vector<16xi32>], vector<16xf32>,
      %parallel_loop3A_108 = arith.mulf %parallel_loop3A_105, %parallel_loop3A_106 : vector<16xf32>
      %parallel_loop3A_109 = arith.addf %parallel_loop3A_108, %parallel_loop3A_107 : vector<16xf32>
      %parallel_loop3A_110 = arith.index_cast %parallel_loop3A_101 : i32 to index
      %parallel_loop3A_111 = tpu.vector_load %arg9[%parallel_loop3A_110] {strides = array<i32>} : memref<6272xf32, #tpu.memory_space<vmem>>, vector<16xf32>,
      tpu.vector_store %arg9[%parallel_loop3A_110], %parallel_loop3A_109 {strides = array<i32>} : memref<6272xf32, #tpu.memory_space<vmem>>, vector<16xf32>,
    } {sc.loop_unroll_factor = 2 : i64, sc.parallel_access}
    %dma_start3A_60 = arith.constant 0 : i32
    %dma_start3A_61 = tpu.memref_slice %arg9[%dma_start3A_60] : memref<6272xf32, #tpu.memory_space<vmem>> -> memref<3136xf32, #tpu.memory_space<vmem>>
    %dma_start3A_62 = tpu.memref_slice %arg6[%min3A_3] : memref<100000xf32, #tpu.memory_space<hbm>> -> memref<3136xf32, #tpu.memory_space<hbm>>
    %dma_start3A_63 = tpu.memref_slice %arg6[%min3A_3] : memref<100000xf32, #tpu.memory_space<hbm>> -> memref<3136xf32, #tpu.memory_space<hbm>>
    %dma_start3A_64 = arith.constant 0 : i32
    %dma_start3A_65 = tpu.memref_slice %arg9[%dma_start3A_64] : memref<6272xf32, #tpu.memory_space<vmem>> -> memref<3136xf32, #tpu.memory_space<vmem>>
    tpu.enqueue_dma source(%dma_start3A_65 : memref<3136xf32, #tpu.memory_space<vmem>>) target(%dma_start3A_63 : memref<3136xf32, #tpu.memory_space<hbm>>) target_semaphore(%arg14 : memref<!tpu.dma_semaphore, #tpu.memory_space<semaphore_mem>>)
    %dma_wait3A_66 = arith.constant 3136 : i32
    %dma_wait3A_67 = tpu.memref_slice %arg8[%dma_wait3A_66] : memref<6272xi32, #tpu.memory_space<vmem>> -> memref<3136xi32, #tpu.memory_space<vmem>>
    %dma_wait3A_68 = tpu.memref_slice %arg3[%add3A_5] : memref<100000xi32, #tpu.memory_space<hbm>> -> memref<3136xi32, #tpu.memory_space<hbm>>
    %dma_wait3A_69 = arith.constant 3136 : i32
    %dma_wait3A_70 = tpu.memref_slice %arg8[%dma_wait3A_69] : memref<6272xi32, #tpu.memory_space<vmem>> -> memref<3136xi32, #tpu.memory_space<vmem>>
    %dma_wait3A_71 = tpu.memref_slice %arg3[%add3A_5] : memref<100000xi32, #tpu.memory_space<hbm>> -> memref<3136xi32, #tpu.memory_space<hbm>>
    tpu.wait_dma2 semaphore(%arg13 : memref<!tpu.dma_semaphore, #tpu.memory_space<semaphore_mem>>) src(%dma_wait3A_71 : memref<3136xi32, #tpu.memory_space<hbm>>) dst(%dma_wait3A_70 : memref<3136xi32, #tpu.memory_space<vmem>>)
    %dma_wait3A_72 = arith.constant 3136 : i32
    %dma_wait3A_73 = tpu.memref_slice %arg7[%dma_wait3A_72] : memref<6272xf32, #tpu.memory_space<vmem>> -> memref<3136xf32, #tpu.memory_space<vmem>>
    %dma_wait3A_74 = tpu.memref_slice %arg2[%add3A_7] : memref<100000xf32, #tpu.memory_space<hbm>> -> memref<3136xf32, #tpu.memory_space<hbm>>
    %dma_wait3A_75 = arith.constant 3136 : i32
    %dma_wait3A_76 = tpu.memref_slice %arg7[%dma_wait3A_75] : memref<6272xf32, #tpu.memory_space<vmem>> -> memref<3136xf32, #tpu.memory_space<vmem>>
    %dma_wait3A_77 = tpu.memref_slice %arg2[%add3A_7] : memref<100000xf32, #tpu.memory_space<hbm>> -> memref<3136xf32, #tpu.memory_space<hbm>>
    tpu.wait_dma2 semaphore(%arg13 : memref<!tpu.dma_semaphore, #tpu.memory_space<semaphore_mem>>) src(%dma_wait3A_77 : memref<3136xf32, #tpu.memory_space<hbm>>) dst(%dma_wait3A_76 : memref<3136xf32, #tpu.memory_space<vmem>>)
    %parallel_loop3A_78 = arith.constant 3136 : i32
    %parallel_loop3A_79 = arith.constant 6272 : i32
    %parallel_loop3A_80 = arith.constant 16 : i32
    scf.for %parallel_loop3A_101 = %parallel_loop3A_78 to %parallel_loop3A_79 step %parallel_loop3A_80  : i32 {
      %parallel_loop3A_102 = arith.index_cast %parallel_loop3A_101 : i32 to index
      %parallel_loop3A_103 = tpu.vector_load %arg8[%parallel_loop3A_102] {strides = array<i32>} : memref<6272xi32, #tpu.memory_space<vmem>>, vector<16xi32>,
      %parallel_loop3A_104 = arith.index_cast %parallel_loop3A_101 : i32 to index
      %parallel_loop3A_105 = tpu.vector_load %arg7[%parallel_loop3A_104] {strides = array<i32>} : memref<6272xf32, #tpu.memory_space<vmem>>, vector<16xf32>,
      %parallel_loop3A_106 = tpu.vector_load_idx %arg10[%parallel_loop3A_103] : memref<16xf32, #tpu.memory_space<vmem>>[vector<16xi32>], vector<16xf32>,
      %parallel_loop3A_107 = tpu.vector_load_idx %arg11[%parallel_loop3A_103] : memref<16xf32, #tpu.memory_space<vmem>>[vector<16xi32>], vector<16xf32>,
      %parallel_loop3A_108 = arith.mulf %parallel_loop3A_105, %parallel_loop3A_106 : vector<16xf32>
      %parallel_loop3A_109 = arith.addf %parallel_loop3A_108, %parallel_loop3A_107 : vector<16xf32>
      %parallel_loop3A_110 = arith.index_cast %parallel_loop3A_101 : i32 to index
      %parallel_loop3A_111 = tpu.vector_load %arg9[%parallel_loop3A_110] {strides = array<i32>} : memref<6272xf32, #tpu.memory_space<vmem>>, vector<16xf32>,
      tpu.vector_store %arg9[%parallel_loop3A_110], %parallel_loop3A_109 {strides = array<i32>} : memref<6272xf32, #tpu.memory_space<vmem>>, vector<16xf32>,
    } {sc.loop_unroll_factor = 2 : i64, sc.parallel_access}
    %add3A_81 = arith.constant 3136 : i32
    %add3A_82 = arith.addi %min3A_3, %add3A_81 : i32
    %dma_start3A_83 = arith.constant 3136 : i32
    %dma_start3A_84 = tpu.memref_slice %arg9[%dma_start3A_83] : memref<6272xf32, #tpu.memory_space<vmem>> -> memref<3136xf32, #tpu.memory_space<vmem>>
    %dma_start3A_85 = tpu.memref_slice %arg6[%add3A_82] : memref<100000xf32, #tpu.memory_space<hbm>> -> memref<3136xf32, #tpu.memory_space<hbm>>
    %dma_start3A_86 = tpu.memref_slice %arg6[%add3A_82] : memref<100000xf32, #tpu.memory_space<hbm>> -> memref<3136xf32, #tpu.memory_space<hbm>>
    %dma_start3A_87 = arith.constant 3136 : i32
    %dma_start3A_88 = tpu.memref_slice %arg9[%dma_start3A_87] : memref<6272xf32, #tpu.memory_space<vmem>> -> memref<3136xf32, #tpu.memory_space<vmem>>
    tpu.enqueue_dma source(%dma_start3A_88 : memref<3136xf32, #tpu.memory_space<vmem>>) target(%dma_start3A_86 : memref<3136xf32, #tpu.memory_space<hbm>>) target_semaphore(%arg14 : memref<!tpu.dma_semaphore, #tpu.memory_space<semaphore_mem>>)
    %dma_wait3A_89 = arith.constant 0 : i32
    %dma_wait3A_90 = tpu.memref_slice %arg9[%dma_wait3A_89] : memref<6272xf32, #tpu.memory_space<vmem>> -> memref<3136xf32, #tpu.memory_space<vmem>>
    %dma_wait3A_91 = tpu.memref_slice %arg6[%min3A_3] : memref<100000xf32, #tpu.memory_space<hbm>> -> memref<3136xf32, #tpu.memory_space<hbm>>
    %dma_wait3A_92 = tpu.memref_slice %arg6[%min3A_3] : memref<100000xf32, #tpu.memory_space<hbm>> -> memref<3136xf32, #tpu.memory_space<hbm>>
    %dma_wait3A_93 = arith.constant 0 : i32
    %dma_wait3A_94 = tpu.memref_slice %arg9[%dma_wait3A_93] : memref<6272xf32, #tpu.memory_space<vmem>> -> memref<3136xf32, #tpu.memory_space<vmem>>
    tpu.wait_dma2 semaphore(%arg14 : memref<!tpu.dma_semaphore, #tpu.memory_space<semaphore_mem>>) src(%dma_wait3A_94 : memref<3136xf32, #tpu.memory_space<vmem>>) dst(%dma_wait3A_92 : memref<3136xf32, #tpu.memory_space<hbm>>)
    %dma_wait3A_95 = arith.constant 3136 : i32
    %dma_wait3A_96 = tpu.memref_slice %arg9[%dma_wait3A_95] : memref<6272xf32, #tpu.memory_space<vmem>> -> memref<3136xf32, #tpu.memory_space<vmem>>
    %dma_wait3A_97 = tpu.memref_slice %arg6[%add3A_82] : memref<100000xf32, #tpu.memory_space<hbm>> -> memref<3136xf32, #tpu.memory_space<hbm>>
    %dma_wait3A_98 = tpu.memref_slice %arg6[%add3A_82] : memref<100000xf32, #tpu.memory_space<hbm>> -> memref<3136xf32, #tpu.memory_space<hbm>>
    %dma_wait3A_99 = arith.constant 3136 : i32
    %dma_wait3A_100 = tpu.memref_slice %arg9[%dma_wait3A_99] : memref<6272xf32, #tpu.memory_space<vmem>> -> memref<3136xf32, #tpu.memory_space<vmem>>
    tpu.wait_dma2 semaphore(%arg14 : memref<!tpu.dma_semaphore, #tpu.memory_space<semaphore_mem>>) src(%dma_wait3A_100 : memref<3136xf32, #tpu.memory_space<vmem>>) dst(%dma_wait3A_98 : memref<3136xf32, #tpu.memory_space<hbm>>)
    return
  }
}

</mosaic_0001>

<sc_bundles>
// kernel: kernel.3.cloned.1.call-start
scs
__scs_entry_jumppad:
0x0: {  	(pc) =	sbr.rel $0x88, $3  }
0x1: {  	(tag) =	ssettag $0x0;
	lr =	simm.s32 $0x1  }
0x2: {  	[smem:$0x3F9D] =	sst lr;
	_ =	strace $0xD0000000  }
0x3: {  	_ = 	snop  }
0x4: {  	_ = 	snop  }
0x5: {  	_ = 	snop  }
0x6: {  	_ = 	snop  }
0x7: {  	_ = 	snop  }
__scs_overlays_trampoline_lowered:
0x8: {  	[smem:$0x3FAC] =	sst s0  }
0x9: {  	[smem:$0x3FAD] =	sst s1  }
0xa: {  	[smem:$0x3FAE] =	sst s2  }
0xb: {  	[smem:$0x3FAF] =	sst s3  }
0xc: {  	[smem:$0x3FB0] =	sst s4  }
0xd: {  	[smem:$0x3FB1] =	sst s5  }
0xe: {  	[smem:$0x3FB2] =	sst s6  }
0xf: {  	[smem:$0x3FB3] =	sst s7  }
0x10: {  	[smem:$0x3FB4] =	sst s8  }
0x11: {  	[smem:$0x3FB5] =	sst s9;
	s0 =	simm.s32 @!p0 $0x0  }
0x12: {  	s1 =	sld [smem:$0x3F9B];
	s0 =	simm.s32 @p0 $0x1  }
0x13: {  	[smem:$0x3FB6] =	sst s0;
	s0 =	simm.s32 @!p1 $0x0  }
0x14: {  	s2 =	sld [smem:$0x3F9A];
	s0 =	simm.s32 @p1 $0x1  }
0x15: {  	[smem:$0x3FB7] =	sst s0;
	s0 =	simm.s32 @!p2 $0x0  }
0x16: {  	s3 =	sld [smem:$0x3FDB];
	s0 =	simm.s32 @p2 $0x1  }
0x17: {  	s4 =	simm.s32 $0x1BF5;
	[smem:$0x3FB9] =	sst s0  }
0x18: {  	s0 =	sld [smem:$0x3F9C];
	_ =	swait.ge [sflag:s4], $0x0  }
0x19: {  	s7 =	sld [smem:$0x3F9D]  }
0x1a: {  	s8 =	sadd.s32 $0xFFFFE003, lr  }
0x1b: {  	s9 =	sadd.s32 $0xFFFFFEF7, lr;
	s5 =	simm.s32 $0xFFFFFFFF;
	p2 =	slt.u32 s8, $0xFFFFF086  }
0x1c: {  	p1 =	slt.u32 s9, $0xF7A;
	s5 =	simm.s32 @!p2 $0x0  }
0x1d: {  	s5 =	simm.s32 @p1 $0x1;
	p0 =	seq.s32 s7, s2  }
0x1e: {  	s7 =	smul.u32 @!p0 $0xF7A, s2;
	p2 =	seq.s32 @!p0 s5, $0x0  }
0x1f: {  	s9 =	smul.u32 $0xF7A, s1;
	s8 =	simm.s32 @!p0 $0x1BF5;
	p2 =	por !p2, p0  }
0x20: {  	[sflag:s8] =	ssyncset.s32 @!p0 $0xFFFFF086;
	s6 =	sadd.s32 @!p0 s3, s7;
	s7 =	simm.s32 @!p0 $0x108  }
0x21: {  	s3 =	sadd.s32 s3, s9;
	s6 =	sadd.s32 @!p0 $0x88, s6;
	s7 =	simm.s32 @p2 $0x1082  }
0x22: {  	[simem:s7], [sflag:s8] =	dma.local @!p0 [hbm:s6], $0xF7A  }
0x23: {  	s9 =	sor.u32 $0xD0000000, s2;
	s6 =	simm.s32 $0x108;
	_ =	swait.ge @!p0 [sflag:s8], $0x0  }
0x24: {  	s3 =	sadd.s32 $0x88, s3;
	s6 =	simm.s32 @!p1 $0x1082;
	[sflag:s4] =	ssyncset.s32 $0xFFFFF086  }
0x25: {  	[simem:s6], [sflag:s4] =	dma.local [hbm:s3], $0xF7A  }
0x26: {  	[smem:$0x3F9D] =	sst s1;
	(tag) =	ssettag s2;
	_ =	strace s9  }
0x27: {  	s1 =	sld [smem:$0x3FAD]  }
0x28: {  	s2 =	sld [smem:$0x3FAE]  }
0x29: {  	s4 =	sld [smem:$0x3FB0]  }
0x2a: {  	p0 =	seq.s32 s5, $0x0;
	s5 =	sld [smem:$0x3FB1]  }
0x2b: {  	s6 =	sld [smem:$0x3FB2]  }
0x2c: {  	s7 =	sld [smem:$0x3FB3]  }
0x2d: {  	s3 =	simm.s32 $0x108;
	s8 =	sld [smem:$0x3FB4]  }
0x2e: {  	s3 =	simm.s32 @!p0 $0x1082;
	s9 =	sld [smem:$0x3FB5]  }
0x2f: {  	lr =	sadd.s32 s0, s3;
	s0 =	sld [smem:$0x3FAC]  }
0x30: {  	s3 =	sld [smem:$0x3FAF]  }
0x31: {  	[smem:$0x3FB8] =	sst s10  }
0x32: {  	s10 =	sld [smem:$0x3FB6];
	_ =	sdelay $0x3  }
0x33: {  	p0 =	seq.s32 s10, $0x1;
	s10 =	sld [smem:$0x3FB8];
	_ =	sdelay $0x3  }
0x34: {  	[smem:$0x3FB8] =	sst s10  }
0x35: {  	s10 =	sld [smem:$0x3FB7];
	_ =	sdelay $0x3  }
0x36: {  	p1 =	seq.s32 s10, $0x1;
	s10 =	sld [smem:$0x3FB8];
	_ =	sdelay $0x3  }
0x37: {  	[smem:$0x3FB8] =	sst s10  }
0x38: {  	s10 =	sld [smem:$0x3FB9]  }
0x39: {  	_ = 	snop;
	(pc) =	sbr.ind lr, $3  }
0x3a: {  	_ = 	snop  }
0x3b: {  	_ = 	snop  }
0x3c: {  	p2 =	seq.s32 s10, $0x1;
	s10 =	sld [smem:$0x3FB8]  }
0x3d: {  	_ =	shalt  }
0x3e: {  	_ =	shalt  }
0x3f: {  	_ =	shalt  }
0x40: {  	_ =	shalt  }
0x41: {  	_ =	shalt  }
0x42: {  	_ =	shalt  }
0x43: {  	_ =	shalt  }
0x44: {  	_ =	shalt  }
0x45: {  	_ =	shalt  }
0x46: {  	_ =	shalt  }
0x47: {  	_ =	shalt  }
0x48: {  	_ =	shalt  }
0x49: {  	_ =	shalt  }
0x4a: {  	_ =	shalt  }
0x4b: {  	_ =	shalt  }
0x4c: {  	_ =	shalt  }
0x4d: {  	_ =	shalt  }
0x4e: {  	_ =	shalt  }
0x4f: {  	_ =	shalt  }
0x50: {  	_ =	shalt  }
0x51: {  	_ =	shalt  }
0x52: {  	_ =	shalt  }
0x53: {  	_ =	shalt  }
0x54: {  	_ =	shalt  }
0x55: {  	_ =	shalt  }
0x56: {  	_ =	shalt  }
0x57: {  	_ =	shalt  }
0x58: {  	_ =	shalt  }
0x59: {  	_ =	shalt  }
0x5a: {  	_ =	shalt  }
0x5b: {  	_ =	shalt  }
0x5c: {  	_ =	shalt  }
0x5d: {  	_ =	shalt  }
0x5e: {  	_ =	shalt  }
0x5f: {  	_ =	shalt  }
0x60: {  	_ =	shalt  }
0x61: {  	_ =	shalt  }
0x62: {  	_ =	shalt  }
0x63: {  	_ =	shalt  }
0x64: {  	_ =	shalt  }
0x65: {  	_ =	shalt  }
0x66: {  	_ =	shalt  }
0x67: {  	_ =	shalt  }
0x68: {  	_ =	shalt  }
0x69: {  	_ =	shalt  }
0x6a: {  	_ =	shalt  }
0x6b: {  	_ =	shalt  }
0x6c: {  	_ =	shalt  }
0x6d: {  	_ =	shalt  }
0x6e: {  	_ =	shalt  }
0x6f: {  	_ =	shalt  }
0x70: {  	_ =	shalt  }
0x71: {  	_ =	shalt  }
0x72: {  	_ =	shalt  }
0x73: {  	_ =	shalt  }
0x74: {  	_ =	shalt  }
0x75: {  	_ =	shalt  }
0x76: {  	_ =	shalt  }
0x77: {  	_ =	shalt  }
0x78: {  	_ =	shalt  }
0x79: {  	_ =	shalt  }
0x7a: {  	_ =	shalt  }
0x7b: {  	_ =	shalt  }
0x7c: {  	_ =	shalt  }
0x7d: {  	_ =	shalt  }
0x7e: {  	_ =	shalt  }
0x7f: {  	_ =	shalt  }
0x80: {  	_ =	shalt  }
0x81: {  	_ =	shalt  }
0x82: {  	_ =	shalt  }
0x83: {  	_ =	shalt  }
0x84: {  	_ =	shalt  }
0x85: {  	_ =	shalt  }
0x86: {  	_ =	shalt  }
0x87: {  	_ =	shalt  }
.Lfunc_end0:
.L_simem_size_0:
called_computation_lowered:
.L_overlay_start_0:
0x88: {  	s0 =	sld [smem:$0x3FD9]  }
0x89: {  	s1 =	sld [smem:$0x3FFE];
	_ =	sdelay $0x3  }
0x8a: {  	s0 =	sadd.s32 s1, s0  }
0x8b: {  	[smem:$0x3FC4] =	sst s0  }
0x8c: {  	_ = 	snop  }
0x8d: {  	s0 =	sld [smem:$0x3FC9]  }
0x8e: {  	s17 =	sld [smem:$0x3FC8]  }
0x8f: {  	s2 =	sld [smem:$0x3FC7]  }
0x90: {  	s3 =	sld [smem:$0x3FC6]  }
0x91: {  	s4 =	sld [smem:$0x3FD0];
	(tm) =	ssettm $0x1  }
0x92: {  	s5 =	sld [smem:$0x3FFB];
	_ =	sdelay $0x3  }
0x93: {  	_ =	strace s5  }
0x94: {  	s5 =	sld [smem:$0x3FFC];
	_ =	sdelay $0x3  }
0x95: {  	_ =	strace s5  }
0x96: {  	s5 =	sld [smem:$0x3FFD];
	_ =	sdelay $0x3  }
0x97: {  	_ =	strace s5  }
0x98: {  	_ =	strace $0x8FFFFFFF  }
0x99: {  	s18 =	sld [smem:$0x3FDB];
	_ =	sdelay $0x1  }
0x9a: {  	s6 =	simm.s32 $_scs_section_size  }
0x9b: {  	s7 =	simm.s32 $_size__tile_overlayer_lowered;
	s8 =	simm.s32 $_tile_overlayer_lowered  }
0x9c: {  	s21 =	simm.s32 $0x1BFF;
	s20 =	sshll.u32 s8, $0x1;
	s5 =	sadd.s32 s6, s18  }
0x9d: {  	s9 =	simm.s32 $0x0;
	s19 =	sshll.u32 s7, $0x1;
	s7 =	sadd.s32 s20, s5  }
0x9e: {  	[timem:s9], [sflag:s21] =	dma.local [hbm:s7], s19  }
0x9f: {  	_ =	swait.ge [sflag:s21], s19  }
0xa0: {  	s6 =	ssub.s32 $0x0, s19;
	[sflag:s21] =	ssyncset.done $0x0  }
0xa1: {  	[sflag:s21] =	ssyncadd.s32 s6;
	_ =	sdelay $0x1  }
0xa2: {  	s22 =	simm.s32 $0x1B8B  }
0xa3: {  	_ =	swait.ge [sflag:s22], $0x1  }
0xa4: {  	[sflag:s22] =	ssyncset.done $0x0  }
0xa5: {  	s23 =	simm.s32 $0x1B8E;
	[sflag:s22] =	ssyncadd.s32 $0xFFFFFFFF  }
0xa6: {  	s24 =	simm.s32 $execute0_lowered;
	[smem:$0x3FD2] =	sst s23  }
0xa7: {  	s6 =	sshll.u32 s24, $0x1;
	_ =	strace $0x80000046;
	[dreg:$0x1] =	wrdreg $0xFFFFFFFF  }
0xa8: {  	s25 =	simm.s32 $_size_execute0_lowered;
	s5 =	sadd.s32 s5, s6;
	[dreg:$0x0] =	wrdreg $0x0  }
0xa9: {  	s6 =	sshll.u32 s25, $0x1;
	[dreg:$0x2] =	wrdreg s5  }
0xaa: {  	[dreg:$0x3] =	wrdreg s6  }
0xab: {  	[dreg:$0x4] =	wrdreg $0xC0  }
0xac: {  	_ =	task [dreg:s9], $0x5FFFF  }
0xad: {  	[dreg:$0x1] =	wrdreg $0xFFFFFFFF  }
0xae: {  	[dreg:$0x0] =	wrdreg $0x60  }
0xaf: {  	[dreg:$0x2] =	wrdreg s0  }
0xb0: {  	[dreg:$0x3] =	wrdreg s17  }
0xb1: {  	[dreg:$0x4] =	wrdreg s2  }
0xb2: {  	[dreg:$0x5] =	wrdreg s3  }
0xb3: {  	[dreg:$0x6] =	wrdreg s4  }
0xb4: {  	[dreg:$0x7] =	wrdreg $0x9  }
0xb5: {  	_ =	task.clear_ibuf [dreg:s9], $0x8FFFF;
	_ =	strace $0x90000046  }
0xb6: {  	s26 =	simm.s32 $0x9;
	_ =	strace $0x80000048  }
0xb7: {  	_ =	swait.ge [sflag:s26], $0x1  }
0xb8: {  	[sflag:s26] =	ssyncadd.s32 $0xFFFFFFFF  }
0xb9: {  	_ =	strace $0x90000048  }
0xba: {  	_ =	sfence  }
0xbb: {  	s28 =	sld [smem:$0x0];
	_ =	sdelay $0x1  }
0xbc: {  	s29 =	srdreg.scid  }
0xbd: {  	s30 =	sshll.u32 s29, $0xD;
	s31 =	sshrl.u32 s29, $0x2  }
0xbe: {  	s1 =	sand.u32 $0x1, s29;
	s2 =	sand.u32 $0x4000, s30;
	s0 =	sadd.s32 s31, s28  }
0xbf: {  	s1 =	sor.u32 s2, s1;
	s0 =	sshll.u32 s0, $0x11  }
0xc0: {  	s0 =	sor.u32 s0, s1  }
0xc1: {  	s0 =	sadd.s32 $0x8F2B, s0  }
0xc2: {  	[sflag:s0] =	ssyncadd.remote.s32 $0x1  }
0xc3: {  	_ =	sfence.sel $0xFFFF  }
0xc4: {  	[dreg:$0x0] =	wrdreg $0xFFFFFFFF;
	(pc) =	sbr.abs _section_cstart, $3  }
0xc5: {  	[dreg:$0x1] =	wrdreg $0xFFFFFFFF  }
0xc6: {  	_ =	task.clear_ibuf [dreg:s9], $0x2FFFF;
	_ =	strace $0x9FFFFFFF  }
0xc7: {  	(tm) =	ssettm $0x7FFFFFFF  }
tec
execute0_lowered:
.L_overlay_start_1:
0x0: {  	(tag) =	ssettag $0x1  }
0x1: {  	s7 =	rddreg [dreg:$0x0]  }
0x2: {  	s8 =	rddreg [dreg:$0x1]  }
0x3: {  	s3 =	rddreg [dreg:$0x2];
	s0 =	stileid.u32  }
0x4: {  	s9 =	rddreg [dreg:$0x3];
	s4 =	smul.u32 $0x1880, s0  }
0x5: {  	s2 =	rddreg [dreg:$0x4]  }
0x6: {  	s1 =	rddreg [dreg:$0x5];
	s10 =	simm.s32 $0x0;
	s4 =	smin.u32 s4, $0x16E20  }
0x7: {  	[smem:$0x7FF] =	sst s10;
	s4 =	sshrl.u32 s4, $0x3  }
0x8: {  	s6 =	simm.s32 $0x1880;
	_ =	strace $0x80000047;
	s5 =	sadd.s32 s8, s4  }
0x9: {  	[tilespmem:s6], [sflag:$0x1] =	stream.linear.gather [hbm4b:s5+s10], $0xC40, $0x38;
	[tilespmem:$0x4A80] =	vst v63  }
0xa: {  	s24 =	sadd.s32 s7, s4  }
0xb: {  	[tilespmem:s10], [sflag:$0x1] =	stream.linear.gather [hbm4b:s24+s10], $0xC40, $0x38;
	[tilespmem:$0x4A80] =	vst v63  }
0xc: {  	s5 =	simm.s32 $0x4980  }
0xd: {  	[tilespmem:s5], [sflag:$0x1] =	stream.linear.gather [hbm4b:s3+s10], $0xA, $0x38;
	[tilespmem:$0x4A80] =	vst v63  }
0xe: {  	s6 =	simm.s32 $0x4A00;
	s3 =	sadd.s32 $0x188, s4  }
0xf: {  	[tilespmem:s6], [sflag:$0x1] =	stream.linear.gather [hbm4b:s9+s10], $0xA, $0x38;
	[tilespmem:$0x4A80] =	vst v63  }
0x10: {  	s25 =	simm.s32 $0x24C0;
	s8 =	sadd.s32 s8, s3  }
0x11: {  	[tilespmem:s25], [sflag:$0x2] =	stream.linear.gather [hbm4b:s8+s10], $0xC40, $0x38;
	[tilespmem:$0x4A80] =	vst v63  }
0x12: {  	s26 =	simm.s32 $0xC40;
	s28 =	simm.s32 $0x1;
	s7 =	sadd.s32 s7, s3  }
0x13: {  	[tilespmem:s26], [sflag:$0x2] =	stream.linear.gather [hbm4b:s7+s10], $0xC40, $0x38;
	[tilespmem:$0x4A80] =	vst v63  }
0x14: {  	_ =	swait.ge [sflag:s28], $0xC40  }
0x15: {  	[sflag:s28] =	ssyncset.done $0x0  }
0x16: {  	[sflag:s28] =	ssyncadd.s32 $0xFFFFF3C0  }
0x17: {  	_ =	swait.ge [sflag:s28], $0xC40  }
0x18: {  	[sflag:s28] =	ssyncset.done $0x0  }
0x19: {  	[sflag:s28] =	ssyncadd.s32 $0xFFFFF3C0  }
0x1a: {  	_ =	swait.ge [sflag:s28], $0xA  }
0x1b: {  	[sflag:s28] =	ssyncset.done $0x0  }
0x1c: {  	[sflag:s28] =	ssyncadd.s32 $0xFFFFFFF6  }
0x1d: {  	_ =	swait.ge [sflag:s28], $0xA  }
0x1e: {  	[sflag:s28] =	ssyncset.done $0x0  }
0x1f: {  	s29 =	simm.s32 $0x1890;
	[sflag:s28] =	ssyncadd.s32 $0xFFFFFFF6  }
0x20: {  	v0 =	vld [tilespmem:s29+$0x0];
	_ =	sdelay $0x3  }
0x21: {  	v3 =	vld [tilespmem:s29+$0xFFFFFFF0]  }
0x22: {  	s30 =	simm.s32 $0x10  }
0x23: {  	s31 =	simm.s32 $0x18B0;
	v6 =	vld [tilespmem:s30+$0x0]  }
0x24: {  	v4 =	vld [tilespmem:s31+$0x0]  }
0x25: {  	v7 =	vld.idx.msk [tilespmem:v0+s5+$0x0], $0xffff  }
0x26: {  	v1 =	vld [tilespmem:s31+$0xFFFFFFF0]  }
0x27: {  	v8 =	vld.idx.msk [tilespmem:v0+s6+$0x0], $0xffff  }
0x28: {  	v5 =	vld [tilespmem:s30+$0xFFFFFFF0]  }
0x29: {  	v2 =	vld.idx.msk [tilespmem:v3+s5+$0x0], $0xffff  }
0x2a: {  	v6 =	vmul.f32 v7, v6  }
0x2b: {  	s8 =	simm.s32 $0x30;
	v0 =	vld.idx.msk [tilespmem:v3+s6+$0x0], $0xffff  }
0x2c: {  	v3 =	vld [tilespmem:s8+$0x0];
	v7 =	vadd.f32 v8, v6  }
0x2d: {  	s9 =	simm.s32 $0x20;
	s7 =	simm.s32 $0x3110;
	s10 =	simm.s32 $0x18D0;
	v6 =	vld.idx.msk [tilespmem:v4+s5+$0x0], $0xffff  }
.LBB2_1:
0x2e: {  	v8 =	vld [tilespmem:s10+$0x0];
	s9 =	sadd.s32 $0x20, s9;
	v2 =	vmul.f32 v2, v5;
	[tilespmem:s7+$0x0] =	vst v7  }
0x2f: {  	p0 =	slt.u32 s9, $0xC20;
	v7 =	vld.idx.msk [tilespmem:v4+s6+$0x0], $0xffff  }
0x30: {  	v9 =	vld [tilespmem:s10+$0xFFFFFFF0];
	v0 =	vadd.f32 v0, v2  }
0x31: {  	v2 =	vld.idx.msk [tilespmem:v1+s5+$0x0], $0xffff  }
.Ltmp0:
0x32: {  	v5 =	vld [tilespmem:s8+$0xFFFFFFF0];
	[tilespmem:s7+$0xFFFFFFF0] =	vst v0;
	(pc) =	sbr.rel @p0 .LBB2_1-.Ltmp0, $4  }
0x33: {  	v6 =	vmul.f32 v6, v3;
	v0 =	vld.idx.msk [tilespmem:v1+s6+$0x0], $0xffff;
	v4 =	vmov v8  }
0x34: {  	s8 =	sadd.s32 $0x20, s8  }
0x35: {  	v7 =	vadd.f32 v7, v6;
	v3 =	vld [tilespmem:s8+$0x0];
	v1 =	vmov v9  }
0x36: {  	s10 =	sadd.s32 $0x20, s10;
	s7 =	sadd.s32 $0x20, s7;
	v6 =	vld.idx.msk [tilespmem:v8+s5+$0x0], $0xffff  }
0x37: {  	_ =	sdelay $0x3  }
0x38: {  	v8 =	vld.idx.msk [tilespmem:v1+s5+$0x0], $0xffff  }
0x39: {  	v9 =	vld [tilespmem:s8+$0xFFFFFFF0]  }
0x3a: {  	v4 =	vld.idx.msk [tilespmem:v4+s6+$0x0], $0xffff  }
0x3b: {  	v1 =	vld.idx.msk [tilespmem:v1+s6+$0x0], $0xffff  }
0x3c: {  	v2 =	vmul.f32 v2, v5  }
0x3d: {  	v3 =	vmul.f32 v6, v3  }
0x3e: {  	v0 =	vadd.f32 v0, v2;
	v2 =	vmul.f32 v8, v9  }
0x3f: {  	[tilespmem:s7+$0x0] =	vst v7;
	v3 =	vadd.f32 v4, v3  }
0x40: {  	s24 =	sadd.s32 $0x20, s7;
	[tilespmem:s7+$0xFFFFFFF0] =	vst v0;
	v0 =	vadd.f32 v1, v2  }
0x41: {  	s4 =	sadd.s32 s2, s4;
	[tilespmem:s24+$0x0] =	vst v3  }
0x42: {  	s25 =	simm.s32 $0x0;
	s26 =	simm.s32 $0x3100;
	s28 =	simm.s32 $0x2;
	[tilespmem:s24+$0xFFFFFFF0] =	vst v0  }
0x43: {  	[hbm4b:s4+s25] =	stream.linear.scatter [tilespmem:s26], [sflag:$0x3], $0xC40, $0x38;
	[tilespmem:$0x4A80] =	vst v63  }
0x44: {  	_ =	swait.ge [sflag:s28], $0xC40  }
0x45: {  	[sflag:s28] =	ssyncset.done $0x0  }
0x46: {  	[sflag:s28] =	ssyncadd.s32 $0xFFFFF3C0  }
0x47: {  	_ =	swait.ge [sflag:s28], $0xC40  }
0x48: {  	[sflag:s28] =	ssyncset.done $0x0  }
0x49: {  	s29 =	simm.s32 $0x24D0;
	[sflag:s28] =	ssyncadd.s32 $0xFFFFF3C0  }
0x4a: {  	v0 =	vld [tilespmem:s29+$0x0];
	_ =	sdelay $0x3  }
0x4b: {  	v4 =	vld [tilespmem:s29+$0xFFFFFFF0]  }
0x4c: {  	s30 =	simm.s32 $0xC50  }
0x4d: {  	s31 =	simm.s32 $0x24F0;
	v6 =	vld [tilespmem:s30+$0x0]  }
0x4e: {  	s5 =	simm.s32 $0x4980;
	v2 =	vld [tilespmem:s31+$0x0]  }
0x4f: {  	v7 =	vld.idx.msk [tilespmem:v0+s5+$0x0], $0xffff  }
0x50: {  	s4 =	simm.s32 $0x4A00;
	v1 =	vld [tilespmem:s31+$0xFFFFFFF0]  }
0x51: {  	v8 =	vld.idx.msk [tilespmem:v0+s4+$0x0], $0xffff  }
0x52: {  	v5 =	vld [tilespmem:s30+$0xFFFFFFF0]  }
0x53: {  	v3 =	vld.idx.msk [tilespmem:v4+s5+$0x0], $0xffff  }
0x54: {  	v6 =	vmul.f32 v7, v6  }
0x55: {  	s7 =	simm.s32 $0xC70;
	v0 =	vld.idx.msk [tilespmem:v4+s4+$0x0], $0xffff  }
0x56: {  	v4 =	vld [tilespmem:s7+$0x0];
	v7 =	vadd.f32 v8, v6  }
0x57: {  	s6 =	simm.s32 $0x3D50;
	s8 =	simm.s32 $0xC60;
	s9 =	simm.s32 $0x2510;
	v6 =	vld.idx.msk [tilespmem:v2+s5+$0x0], $0xffff  }
.LBB2_3:
0x58: {  	v8 =	vld [tilespmem:s9+$0x0];
	s8 =	sadd.s32 $0x20, s8;
	v3 =	vmul.f32 v3, v5;
	[tilespmem:s6+$0x0] =	vst v7  }
0x59: {  	p0 =	slt.u32 s8, $0x1860;
	v7 =	vld.idx.msk [tilespmem:v2+s4+$0x0], $0xffff  }
0x5a: {  	v9 =	vld [tilespmem:s9+$0xFFFFFFF0];
	v0 =	vadd.f32 v0, v3  }
0x5b: {  	v3 =	vld.idx.msk [tilespmem:v1+s5+$0x0], $0xffff  }
.Ltmp1:
0x5c: {  	v5 =	vld [tilespmem:s7+$0xFFFFFFF0];
	[tilespmem:s6+$0xFFFFFFF0] =	vst v0;
	(pc) =	sbr.rel @p0 .LBB2_3-.Ltmp1, $4  }
0x5d: {  	v6 =	vmul.f32 v6, v4;
	v0 =	vld.idx.msk [tilespmem:v1+s4+$0x0], $0xffff;
	v2 =	vmov v8  }
0x5e: {  	s7 =	sadd.s32 $0x20, s7  }
0x5f: {  	v7 =	vadd.f32 v7, v6;
	v4 =	vld [tilespmem:s7+$0x0];
	v1 =	vmov v9  }
0x60: {  	s9 =	sadd.s32 $0x20, s9;
	s6 =	sadd.s32 $0x20, s6;
	v6 =	vld.idx.msk [tilespmem:v8+s5+$0x0], $0xffff  }
0x61: {  	_ =	sdelay $0x3  }
0x62: {  	v8 =	vld.idx.msk [tilespmem:v1+s5+$0x0], $0xffff  }
0x63: {  	v9 =	vld [tilespmem:s7+$0xFFFFFFF0]  }
0x64: {  	v2 =	vld.idx.msk [tilespmem:v2+s4+$0x0], $0xffff  }
0x65: {  	v61 =	vld.idx.msk [tilespmem:v1+s4+$0x0], $0xffff  }
0x66: {  	v3 =	vmul.f32 v3, v5  }
0x67: {  	v4 =	vmul.f32 v6, v4  }
0x68: {  	v0 =	vadd.f32 v0, v3;
	v62 =	vmul.f32 v8, v9  }
0x69: {  	[tilespmem:s6+$0x0] =	vst v7;
	v2 =	vadd.f32 v2, v4  }
0x6a: {  	s28 =	sadd.s32 $0x20, s6;
	[tilespmem:s6+$0xFFFFFFF0] =	vst v0;
	v63 =	vadd.f32 v61, v62  }
0x6b: {  	s2 =	sadd.s32 s2, s3;
	[tilespmem:s28+$0x0] =	vst v2  }
0x6c: {  	s29 =	simm.s32 $0x0;
	s30 =	simm.s32 $0x3D40;
	s31 =	simm.s32 $0x3;
	[tilespmem:s28+$0xFFFFFFF0] =	vst v63  }
0x6d: {  	[hbm4b:s2+s29] =	stream.linear.scatter [tilespmem:s30], [sflag:$0x3], $0xC40, $0x38;
	[tilespmem:$0x4A80] =	vst v63  }
0x6e: {  	_ =	swait.ge [sflag:s31], $0xC40  }
0x6f: {  	[sflag:s31] =	ssyncset.done $0x0  }
0x70: {  	[sflag:s31] =	ssyncadd.s32 $0xFFFFF3C0  }
0x71: {  	_ =	swait.ge [sflag:s31], $0xC40  }
0x72: {  	[sflag:s31] =	ssyncset.done $0x0  }
0x73: {  	[sflag:s31] =	ssyncadd.s32 $0xFFFFF3C0  }
0x74: {  	_ =	sfence.sel $0x180000  }
0x75: {  	[bflag:$0x0] =	sbarrier.arrive $0xFFFF  }
0x76: {  	p0 =	sne.s32 s0, $0x0;
	_ =	strace $0x90000047  }
0x77: {  	s0 =	sadd.s32 @!p0 $0x100000, s1;
	[bflag:$0x2] =	sbarrier.arrive $0xFFFF  }
0x78: {  	[sflag:s0] =	ssyncadd.tile.s32 @!p0 $0x1;
	_ =	shalt  }
.Lfunc_end2:
_tile_overlayer_lowered:
.L_overlay_start_2:
0x79: {  	(tag) =	ssettag $0x2  }
0x7a: {  	s0 =	rddreg [dreg:$0x0];
	s2 =	stileid.u32  }
0x7b: {  	s1 =	rddreg [dreg:$0x1];
	p0 =	sne.s32 s2, $0x0  }
0x7c: {  	s3 =	rddreg [dreg:$0x2];
	[bflag:$0x3] =	sbarrier.arrive $0xFFFF;
	s2 =	simm.s32 @!p0 $0x1C04  }
0x7d: {  	[timem:s3], [sflag:s2] =	dma.local @!p0 [hbm:s0], s1  }
0x7e: {  	s0 =	simm.s32 @!p0 $0x4  }
0x7f: {  	_ =	swait.ge @!p0 [sflag:s0], s1  }
0x80: {  	s1 =	ssub.s32 @!p0 $0x0, s1;
	[sflag:s0] =	ssyncset.done @!p0 $0x0  }
0x81: {  	[sflag:s0] =	ssyncadd.s32 @!p0 s1  }
0x82: {  	[bflag:$0x3] =	sbarrier.arrive $0xFFFF  }
0x83: {  	_ =	shalt  }

</sc_bundles>
